<compile_context>
chip_gen: v7x
topology: tpu7x:2x2x1
jax: 0.10.2.dev20260603
libtpu: 0.0.44.dev20260713+nightly
codegen_flags: <defaults>
</compile_context>

<pallas_src>
import functools

import jax
import jax.numpy as jnp
from jax import lax
from jax.experimental import pallas as pl
from jax.experimental.pallas import tpu as pltpu
from jax.experimental.pallas import tpu_sc as plsc

EPS = 1e-7
LABEL_SMOOTHING = 0.1

NCH = 4


def _body(mt_ref, mp_ref, out_ref, acc_ref):
    b = pl.program_id(0)
    k = pl.program_id(1)

    @pl.when(k == 0)
    def _init():
        acc_ref[0] = 0.0
        acc_ref[1] = 0.0

    mt = mt_ref[0]
    cls = jnp.min(mt, axis=(1, 2), keepdims=True)
    valid = cls < 80
    sc = jnp.where(valid, cls, 0)

    pred = mp_ref[0]
    lane = jax.lax.broadcasted_iota(jnp.int32, pred.shape, 3)
    chosen_pred = jnp.sum(jnp.where(lane == sc[..., None], pred, 0.0), axis=-1)
    chosen_true = (mt == sc).astype(jnp.float32)

    y = (1.0 - LABEL_SMOOTHING) * chosen_true + LABEL_SMOOTHING / 2.0
    loss = -(y * jnp.log(chosen_pred + EPS)
             + (1.0 - y) * jnp.log(1.0 - chosen_pred + EPS))
    molded = jnp.where(valid[:, 0, 0], jnp.mean(loss, axis=(1, 2)), 0.0)
    acc_ref[0] += jnp.sum(molded)
    acc_ref[1] += jnp.sum((molded != 0.0).astype(jnp.float32))

    @pl.when(k == pl.num_programs(1) - 1)
    def _fin():
        out_ref[b] = acc_ref[0] / (acc_ref[1] + 1.0)


def _sc_noop_body(mt_hbm, out_hbm, mt_v):
    wid = lax.axis_index("s") * 2 + lax.axis_index("c")
    pltpu.sync_copy(mt_hbm.at[wid // 8, wid % 8], mt_v)
    pltpu.sync_copy(mt_v, out_hbm.at[wid])


def _sc_noop(mask_true):
    B, N, H, W = mask_true.shape
    return pl.kernel(
        _sc_noop_body,
        out_type=jax.ShapeDtypeStruct((B * N, H, W), jnp.int32),
        mesh=plsc.VectorSubcoreMesh(core_axis_name="c", subcore_axis_name="s",
                                    num_cores=2, num_subcores=16),
        scratch_types=[pltpu.VMEM((H, W), jnp.int32)],
    )(mask_true)


@jax.jit
def kernel(mask_true, mask_pred):
    B, N, H, W = mask_true.shape
    C = mask_pred.shape[-1]
    sc_side = _sc_noop(mask_true)
    out = pl.pallas_call(
        _body,
        grid=(B, N // NCH),
        in_specs=[
            pl.BlockSpec((1, NCH, H, W), lambda b, k: (b, k, 0, 0)),
            pl.BlockSpec((1, NCH, H, W, C), lambda b, k: (b, k, 0, 0, 0)),
        ],
        out_specs=pl.BlockSpec(memory_space=pltpu.SMEM),
        out_shape=jax.ShapeDtypeStruct((B,), jnp.float32),
        scratch_shapes=[pltpu.SMEM((2,), jnp.float32)],
    )(mask_true, mask_pred)
    return out + 0.0 * sc_side[0, 0, 0].astype(jnp.float32)

# --- scband reference (transcript-rebuilt; emitter-appended) ---
"""Pipeline reference for scband-mask-loss-29145648071148 (READ-ONLY COPY).

The authoritative reference and input builder live on the scoring server;
editing this copy changes nothing except your own understanding.
"""

import jax, jax.numpy as jnp
import numpy as np

EPS = 1e-7  # K.epsilon()
WEIGHT = 1.0
LABEL_SMOOTHING = 0.1

def setup_inputs(seed: int = 0) -> dict:
    key = jax.random.key(seed)
    k1, k2 = jax.random.split(key)
    mask_true = jax.random.randint(k1, (4, 8, 64, 64), 0, 81, dtype=jnp.int32)
    mask_pred = jax.random.uniform(k2, (4, 8, 64, 64, 80), dtype=jnp.float32)
    return {"mask_true": mask_true, "mask_pred": mask_pred}

def reference(mask_true, mask_pred):
    B, N, H, W = mask_true.shape
    C = mask_pred.shape[-1]
    # per-instance class id (min over spatial dims)
    mask_classes = jnp.min(mask_true, axis=(2, 3))  # [B, N]
    # one-hot ground-truth masks, dropping the background channel
    onehot = jax.nn.one_hot(mask_true, C + 1, dtype=jnp.float32)[..., :-1]  # [B,N,H,W,C]
    # valid instances (class < num_classes)
    valid = mask_classes < C  # [B, N]
    safe_class = jnp.where(valid, mask_classes, 0)  # [B, N]
    # gather predicted / true masks at each instance's own class
    idx = safe_class[:, :, None, None, None]  # [B,N,1,1,1]
    chosen_pred = jnp.take_along_axis(mask_pred, idx, axis=-1)[..., 0]  # [B,N,H,W]
    chosen_true = jnp.take_along_axis(onehot, idx, axis=-1)[..., 0]     # [B,N,H,W]
    # label-smoothed binary cross entropy
    y_true = (1.0 - LABEL_SMOOTHING) * chosen_true + LABEL_SMOOTHING / 2.0
    loss = -(y_true * jnp.log(chosen_pred + EPS) + (1.0 - y_true) * jnp.log(1.0 - chosen_pred + EPS))  # [B,N,H,W]
    molded = jnp.where(valid, jnp.mean(loss, axis=(2, 3)), jnp.zeros((B, N), dtype=jnp.float32))  # [B, N]
    count = jnp.sum((molded != 0).astype(jnp.int32), axis=1)
    out = jnp.sum(molded, axis=1) / (count + 1).astype(jnp.float32)
    return WEIGHT * out

if __name__ == "__main__":
    import jax
    _d = setup_inputs()
    print(jax.jit(kernel)(*tuple(_d.values())))

</pallas_src>

<mosaic_0001>
#map = affine_map<(d0, d1) -> (0, 0, 0, 0)>
#map1 = affine_map<(d0, d1) -> (0, 0, 0)>
module attributes {stable_mosaic.version = 14 : i64} {
  func.func @_sc_noop_body(%arg0: i32, %arg1: i32, %arg2: memref<4x8x64x64xi32, #tpu.memory_space<hbm>>, %arg3: memref<32x64x64xi32, #tpu.memory_space<hbm>>, %arg4: memref<64x64xi32, #tpu.memory_space<vmem>>) attributes {dimension_semantics = [#tpu.dimension_semantics<core_parallel>, #tpu.dimension_semantics<subcore_parallel>], iteration_bounds = array<i64: 2, 16>, scalar_prefetch = 0 : i64, scratch_operands = 1 : i64, tpu.core_type = #tpu.core_type<sc_vector_subcore>, window_params = [{transform_indices = #map}, {transform_indices = #map1}]} {
    %mul3A = arith.constant 2 : i32
    %mul3A_0 = arith.muli %arg1, %mul3A : i32
    %add3A = arith.addi %mul3A_0, %arg0 : i32
    %jit3A = arith.constant 8 : i32
    %div3A = arith.divsi %add3A, %jit3A : i32
    %sign3A = arith.constant 0 : i32
    %sign3A_1 = arith.cmpi sgt, %add3A, %sign3A : i32
    %sign3A_2 = arith.extui %sign3A_1 : i1 to i32
    %sign3A_3 = arith.constant 0 : i32
    %sign3A_4 = arith.cmpi slt, %add3A, %sign3A_3 : i32
    %sign3A_5 = arith.extui %sign3A_4 : i1 to i32
    %sign3A_6 = arith.subi %sign3A_2, %sign3A_5 : i32
    %sign3A_7 = arith.constant 0 : i32
    %sign3A_8 = arith.cmpi sgt, %jit3A, %sign3A_7 : i32
    %sign3A_9 = arith.extui %sign3A_8 : i1 to i32
    %sign3A_10 = arith.constant 0 : i32
    %sign3A_11 = arith.cmpi slt, %jit3A, %sign3A_10 : i32
    %sign3A_12 = arith.extui %sign3A_11 : i1 to i32
    %sign3A_13 = arith.subi %sign3A_9, %sign3A_12 : i32
    %ne3A = arith.cmpi ne, %sign3A_6, %sign3A_13 : i32
    %rem3A = arith.remsi %add3A, %jit3A : i32
    %ne3A_14 = arith.constant 0 : i32
    %ne3A_15 = arith.cmpi ne, %rem3A, %ne3A_14 : i32
    %and3A = arith.andi %ne3A, %ne3A_15 : i1
    %sub3A = arith.constant 1 : i32
    %sub3A_16 = arith.subi %div3A, %sub3A : i32
    %select_n3A = arith.select %and3A, %sub3A_16, %div3A : i32
    %jit3A_17 = arith.constant 8 : i32
    %eq3A = arith.constant 0 : i32
    %eq3A_18 = arith.cmpi eq, %jit3A_17, %eq3A : i32
    %jit3A_19 = arith.constant 1 : i32
    %select_n3A_20 = arith.select %eq3A_18, %jit3A_19, %jit3A_17 : i32
    %rem3A_21 = arith.remsi %add3A, %select_n3A_20 : i32
    %ne3A_22 = arith.constant 0 : i32
    %ne3A_23 = arith.cmpi ne, %rem3A_21, %ne3A_22 : i32
    %lt3A = arith.constant 0 : i32
    %lt3A_24 = arith.cmpi slt, %rem3A_21, %lt3A : i32
    %lt3A_25 = arith.constant 0 : i32
    %lt3A_26 = arith.cmpi slt, %select_n3A_20, %lt3A_25 : i32
    %ne3A_27 = arith.xori %lt3A_24, %lt3A_26 : i1
    %and3A_28 = arith.andi %ne3A_27, %ne3A_23 : i1
    %add3A_29 = arith.addi %rem3A_21, %select_n3A_20 : i32
    %select_n3A_30 = arith.select %and3A_28, %add3A_29, %rem3A_21 : i32
    "tpu.region"() ({
      %run_scoped3A = tpu.sem_alloc : memref<!tpu.dma_semaphore, #tpu.memory_space<semaphore_mem>>
      %dma_start3A = arith.constant 0 : i32
      %dma_start3A_31 = arith.constant 0 : i32
      %dma_start3A_32 = tpu.memref_slice %arg2[%select_n3A, %select_n3A_30, %dma_start3A, %dma_start3A_31] : memref<4x8x64x64xi32, #tpu.memory_space<hbm>> -> memref<1x1x64x64xi32, #tpu.memory_space<hbm>>
      %dma_start3A_33 = tpu.memref_squeeze %dma_start3A_32 : memref<1x1x64x64xi32, #tpu.memory_space<hbm>> -> memref<64x64xi32, #tpu.memory_space<hbm>>
      %dma_start3A_34 = arith.constant 0 : i32
      %dma_start3A_35 = arith.constant 0 : i32
      %dma_start3A_36 = tpu.memref_slice %arg2[%select_n3A, %select_n3A_30, %dma_start3A_34, %dma_start3A_35] : memref<4x8x64x64xi32, #tpu.memory_space<hbm>> -> memref<1x1x64x64xi32, #tpu.memory_space<hbm>>
      %dma_start3A_37 = tpu.memref_squeeze %dma_start3A_36 : memref<1x1x64x64xi32, #tpu.memory_space<hbm>> -> memref<64x64xi32, #tpu.memory_space<hbm>>
      tpu.enqueue_dma source(%dma_start3A_37 : memref<64x64xi32, #tpu.memory_space<hbm>>) target(%arg4 : memref<64x64xi32, #tpu.memory_space<vmem>>) target_semaphore(%run_scoped3A : memref<!tpu.dma_semaphore, #tpu.memory_space<semaphore_mem>>)
      %dma_wait3A = arith.constant 0 : i32
      %dma_wait3A_38 = arith.constant 0 : i32
      %dma_wait3A_39 = tpu.memref_slice %arg2[%select_n3A, %select_n3A_30, %dma_wait3A, %dma_wait3A_38] : memref<4x8x64x64xi32, #tpu.memory_space<hbm>> -> memref<1x1x64x64xi32, #tpu.memory_space<hbm>>
      %dma_wait3A_40 = tpu.memref_squeeze %dma_wait3A_39 : memref<1x1x64x64xi32, #tpu.memory_space<hbm>> -> memref<64x64xi32, #tpu.memory_space<hbm>>
      %dma_wait3A_41 = arith.constant 0 : i32
      %dma_wait3A_42 = arith.constant 0 : i32
      %dma_wait3A_43 = tpu.memref_slice %arg2[%select_n3A, %select_n3A_30, %dma_wait3A_41, %dma_wait3A_42] : memref<4x8x64x64xi32, #tpu.memory_space<hbm>> -> memref<1x1x64x64xi32, #tpu.memory_space<hbm>>
      %dma_wait3A_44 = tpu.memref_squeeze %dma_wait3A_43 : memref<1x1x64x64xi32, #tpu.memory_space<hbm>> -> memref<64x64xi32, #tpu.memory_space<hbm>>
      tpu.wait_dma2 semaphore(%run_scoped3A : memref<!tpu.dma_semaphore, #tpu.memory_space<semaphore_mem>>) src(%dma_wait3A_44 : memref<64x64xi32, #tpu.memory_space<hbm>>) dst(%arg4 : memref<64x64xi32, #tpu.memory_space<vmem>>)
      tpu.yield
    }) : () -> ()
    "tpu.region"() ({
      %run_scoped3A = tpu.sem_alloc : memref<!tpu.dma_semaphore, #tpu.memory_space<semaphore_mem>>
      %dma_start3A = arith.constant 0 : i32
      %dma_start3A_31 = arith.constant 0 : i32
      %dma_start3A_32 = tpu.memref_slice %arg3[%add3A, %dma_start3A, %dma_start3A_31] : memref<32x64x64xi32, #tpu.memory_space<hbm>> -> memref<1x64x64xi32, #tpu.memory_space<hbm>>
      %dma_start3A_33 = tpu.memref_squeeze %dma_start3A_32 : memref<1x64x64xi32, #tpu.memory_space<hbm>> -> memref<64x64xi32, #tpu.memory_space<hbm>>
      %dma_start3A_34 = arith.constant 0 : i32
      %dma_start3A_35 = arith.constant 0 : i32
      %dma_start3A_36 = tpu.memref_slice %arg3[%add3A, %dma_start3A_34, %dma_start3A_35] : memref<32x64x64xi32, #tpu.memory_space<hbm>> -> memref<1x64x64xi32, #tpu.memory_space<hbm>>
      %dma_start3A_37 = tpu.memref_squeeze %dma_start3A_36 : memref<1x64x64xi32, #tpu.memory_space<hbm>> -> memref<64x64xi32, #tpu.memory_space<hbm>>
      tpu.enqueue_dma source(%arg4 : memref<64x64xi32, #tpu.memory_space<vmem>>) target(%dma_start3A_37 : memref<64x64xi32, #tpu.memory_space<hbm>>) target_semaphore(%run_scoped3A : memref<!tpu.dma_semaphore, #tpu.memory_space<semaphore_mem>>)
      %dma_wait3A = arith.constant 0 : i32
      %dma_wait3A_38 = arith.constant 0 : i32
      %dma_wait3A_39 = tpu.memref_slice %arg3[%add3A, %dma_wait3A, %dma_wait3A_38] : memref<32x64x64xi32, #tpu.memory_space<hbm>> -> memref<1x64x64xi32, #tpu.memory_space<hbm>>
      %dma_wait3A_40 = tpu.memref_squeeze %dma_wait3A_39 : memref<1x64x64xi32, #tpu.memory_space<hbm>> -> memref<64x64xi32, #tpu.memory_space<hbm>>
      %dma_wait3A_41 = arith.constant 0 : i32
      %dma_wait3A_42 = arith.constant 0 : i32
      %dma_wait3A_43 = tpu.memref_slice %arg3[%add3A, %dma_wait3A_41, %dma_wait3A_42] : memref<32x64x64xi32, #tpu.memory_space<hbm>> -> memref<1x64x64xi32, #tpu.memory_space<hbm>>
      %dma_wait3A_44 = tpu.memref_squeeze %dma_wait3A_43 : memref<1x64x64xi32, #tpu.memory_space<hbm>> -> memref<64x64xi32, #tpu.memory_space<hbm>>
      tpu.wait_dma2 semaphore(%run_scoped3A : memref<!tpu.dma_semaphore, #tpu.memory_space<semaphore_mem>>) src(%arg4 : memref<64x64xi32, #tpu.memory_space<vmem>>) dst(%dma_wait3A_44 : memref<64x64xi32, #tpu.memory_space<hbm>>)
      tpu.yield
    }) : () -> ()
    return
  }
}

module attributes {stable_mosaic.version = 14 : i64} {
  func.func @_body(%arg0: i32, %arg1: i32, %arg2: memref<1x4x64x64xi32, #tpu.memory_space<vmem>>, %arg3: memref<1x4x64x64x80xf32, #tpu.memory_space<vmem>>, %arg4: memref<4xf32, #tpu.memory_space<smem>>, %arg5: memref<2xf32, #tpu.memory_space<smem>>) attributes {dimension_semantics = [#tpu.dimension_semantics<arbitrary>, #tpu.dimension_semantics<arbitrary>], iteration_bounds = array<i64: 4, 2>, scalar_prefetch = 0 : i64, scratch_operands = 1 : i64, tpu.core_type = #tpu.core_type<tc>, window_params = [{transform_indices = @transform_0, window_bounds = array<i64: 1, 4, 64, 64>}, {transform_indices = @transform_1, window_bounds = array<i64: 1, 4, 64, 64, 80>}, {transform_indices = @transform_2, window_bounds = array<i64: 4>}]} {
    %eq3A = arith.constant 0 : i32
    %eq3A_0 = arith.cmpi eq, %arg1, %eq3A : i32
    %convert_element_type3A = arith.extui %eq3A_0 : i1 to i32
    %cond3A = arith.constant 0 : i32
    %cond3A_1 = arith.cmpi ne, %convert_element_type3A, %cond3A : i32
    scf.if %cond3A_1 {
      %swap3A_85 = arith.constant 0.000000e+00 : f32
      %swap3A_86 = arith.constant 0 : index
      %swap3A_87 = memref.load %arg5[%swap3A_86] : memref<2xf32, #tpu.memory_space<smem>>
      memref.store %swap3A_85, %arg5[%swap3A_86] : memref<2xf32, #tpu.memory_space<smem>>
      %swap3A_88 = arith.constant 0.000000e+00 : f32
      %swap3A_89 = arith.constant 1 : index
      %swap3A_90 = memref.load %arg5[%swap3A_89] : memref<2xf32, #tpu.memory_space<smem>>
      memref.store %swap3A_88, %arg5[%swap3A_89] : memref<2xf32, #tpu.memory_space<smem>>
    } else {
    }
    %get3A = arith.constant 0 : index
    %get3A_2 = arith.constant 0 : index
    %get3A_3 = arith.constant 0 : index
    %get3A_4 = arith.constant 0 : index
    %get3A_5 = vector.load %arg2[%get3A, %get3A_2, %get3A_3, %get3A_4] : memref<1x4x64x64xi32, #tpu.memory_space<vmem>>, vector<1x4x64x64xi32>
    %get3A_6 = vector.shape_cast %get3A_5 : vector<1x4x64x64xi32> to vector<4x64x64xi32>
    %reduce_min3A = arith.constant dense<2147483647> : vector<4xi32>
    %reduce_min3A_7 = vector.multi_reduction <minsi>, %get3A_6, %reduce_min3A [1, 2] : vector<4x64x64xi32> to vector<4xi32>
    %broadcast_in_dim3A = vector.shape_cast %reduce_min3A_7 : vector<4xi32> to vector<4x1x1xi32>
    %lt3A = arith.constant 80 : i32
    %lt3A_8 = vector.broadcast %lt3A : i32 to vector<4x1x1xi32>
    %lt3A_9 = arith.cmpi slt, %broadcast_in_dim3A, %lt3A_8 : vector<4x1x1xi32>
    %jit3A = arith.constant 0 : i32
    %broadcast_in_dim3A_10 = vector.broadcast %jit3A : i32 to vector<4x1x1xi32>
    %select_n3A = arith.select %lt3A_9, %broadcast_in_dim3A, %broadcast_in_dim3A_10 : vector<4x1x1xi1>, vector<4x1x1xi32>
    %get3A_11 = arith.constant 0 : index
    %get3A_12 = arith.constant 0 : index
    %get3A_13 = arith.constant 0 : index
    %get3A_14 = arith.constant 0 : index
    %get3A_15 = arith.constant 0 : index
    %get3A_16 = vector.load %arg3[%get3A_11, %get3A_12, %get3A_13, %get3A_14, %get3A_15] : memref<1x4x64x64x80xf32, #tpu.memory_space<vmem>>, vector<1x4x64x64x80xf32>
    %get3A_17 = vector.shape_cast %get3A_16 : vector<1x4x64x64x80xf32> to vector<4x64x64x80xf32>
    %iota3A = tpu.iota {dimensions = array<i32: 3>} : vector<4x64x64x80xi32>
    %broadcast_in_dim3A_18 = vector.shape_cast %select_n3A : vector<4x1x1xi32> to vector<4x1x1x1xi32>
    %eq3A_19 = vector.broadcast %broadcast_in_dim3A_18 : vector<4x1x1x1xi32> to vector<4x64x64x80xi32>
    %eq3A_20 = arith.cmpi eq, %iota3A, %eq3A_19 : vector<4x64x64x80xi32>
    %jit3A_21 = arith.constant 0.000000e+00 : f32
    %broadcast_in_dim3A_22 = vector.broadcast %jit3A_21 : f32 to vector<4x64x64x80xf32>
    %select_n3A_23 = arith.select %eq3A_20, %get3A_17, %broadcast_in_dim3A_22 : vector<4x64x64x80xi1>, vector<4x64x64x80xf32>
    %reduce_sum3A = arith.constant dense<0.000000e+00> : vector<4x64x64xf32>
    %reduce_sum3A_24 = vector.multi_reduction <add>, %select_n3A_23, %reduce_sum3A [3] : vector<4x64x64x80xf32> to vector<4x64x64xf32>
    %eq3A_25 = vector.broadcast %select_n3A : vector<4x1x1xi32> to vector<4x64x64xi32>
    %eq3A_26 = arith.cmpi eq, %get3A_6, %eq3A_25 : vector<4x64x64xi32>
    %convert_element_type3A_27 = arith.extui %eq3A_26 : vector<4x64x64xi1> to vector<4x64x64xi32>
    %convert_element_type3A_28 = arith.sitofp %convert_element_type3A_27 : vector<4x64x64xi32> to vector<4x64x64xf32>
    %mul3A = arith.constant 0.899999976 : f32
    %mul3A_29 = vector.broadcast %mul3A : f32 to vector<4x64x64xf32>
    %mul3A_30 = arith.mulf %mul3A_29, %convert_element_type3A_28 : vector<4x64x64xf32>
    %add3A = arith.constant 5.000000e-02 : f32
    %add3A_31 = vector.broadcast %add3A : f32 to vector<4x64x64xf32>
    %add3A_32 = arith.addf %mul3A_30, %add3A_31 : vector<4x64x64xf32>
    %add3A_33 = arith.constant 1.000000e-07 : f32
    %add3A_34 = vector.broadcast %add3A_33 : f32 to vector<4x64x64xf32>
    %add3A_35 = arith.addf %reduce_sum3A_24, %add3A_34 : vector<4x64x64xf32>
    %log3A = math.log %add3A_35 : vector<4x64x64xf32>
    %mul3A_36 = arith.mulf %add3A_32, %log3A : vector<4x64x64xf32>
    %sub3A = arith.constant 1.000000e+00 : f32
    %sub3A_37 = vector.broadcast %sub3A : f32 to vector<4x64x64xf32>
    %sub3A_38 = arith.subf %sub3A_37, %add3A_32 : vector<4x64x64xf32>
    %sub3A_39 = arith.constant 1.000000e+00 : f32
    %sub3A_40 = vector.broadcast %sub3A_39 : f32 to vector<4x64x64xf32>
    %sub3A_41 = arith.subf %sub3A_40, %reduce_sum3A_24 : vector<4x64x64xf32>
    %add3A_42 = arith.constant 1.000000e-07 : f32
    %add3A_43 = vector.broadcast %add3A_42 : f32 to vector<4x64x64xf32>
    %add3A_44 = arith.addf %sub3A_41, %add3A_43 : vector<4x64x64xf32>
    %log3A_45 = math.log %add3A_44 : vector<4x64x64xf32>
    %mul3A_46 = arith.mulf %sub3A_38, %log3A_45 : vector<4x64x64xf32>
    %add3A_47 = arith.addf %mul3A_36, %mul3A_46 : vector<4x64x64xf32>
    %neg3A = arith.constant 0.000000e+00 : f32
    %neg3A_48 = vector.broadcast %neg3A : f32 to vector<4x64x64xf32>
    %neg3A_49 = arith.subf %neg3A_48, %add3A_47 : vector<4x64x64xf32>
    %squeeze3A = vector.shape_cast %lt3A_9 : vector<4x1x1xi1> to vector<4xi1>
    %reduce_sum3A_50 = arith.constant dense<0.000000e+00> : vector<4xf32>
    %reduce_sum3A_51 = vector.multi_reduction <add>, %neg3A_49, %reduce_sum3A_50 [1, 2] : vector<4x64x64xf32> to vector<4xf32>
    %div3A = arith.constant 4.096000e+03 : f32
    %div3A_52 = vector.broadcast %div3A : f32 to vector<4xf32>
    %div3A_53 = arith.divf %reduce_sum3A_51, %div3A_52 : vector<4xf32>
    %jit3A_54 = arith.constant 0.000000e+00 : f32
    %broadcast_in_dim3A_55 = vector.broadcast %jit3A_54 : f32 to vector<4xf32>
    %select_n3A_56 = arith.select %squeeze3A, %div3A_53, %broadcast_in_dim3A_55 : vector<4xi1>, vector<4xf32>
    %get3A_57 = arith.constant 0 : index
    %get3A_58 = memref.load %arg5[%get3A_57] : memref<2xf32, #tpu.memory_space<smem>>
    %reduce_sum3A_59 = vector.shape_cast %select_n3A_56 : vector<4xf32> to vector<1x4xf32>
    %reduce_sum3A_60 = arith.constant dense<0.000000e+00> : vector<1xf32>
    %reduce_sum3A_61 = vector.multi_reduction <add>, %reduce_sum3A_59, %reduce_sum3A_60 [1] : vector<1x4xf32> to vector<1xf32>
    %reduce_sum3A_62 = vector.shape_cast %reduce_sum3A_61 : vector<1xf32> to vector<1x1xf32>
    %reduce_sum3A_63 = vector.extract %reduce_sum3A_62[0, 0] : f32 from vector<1x1xf32>
    %add3A_64 = arith.addf %get3A_58, %reduce_sum3A_63 : f32
    %swap3A = arith.constant 0 : index
    %swap3A_65 = memref.load %arg5[%swap3A] : memref<2xf32, #tpu.memory_space<smem>>
    memref.store %add3A_64, %arg5[%swap3A] : memref<2xf32, #tpu.memory_space<smem>>
    %get3A_66 = arith.constant 1 : index
    %get3A_67 = memref.load %arg5[%get3A_66] : memref<2xf32, #tpu.memory_space<smem>>
    %ne3A = arith.constant 0.000000e+00 : f32
    %ne3A_68 = vector.broadcast %ne3A : f32 to vector<4xf32>
    %ne3A_69 = arith.cmpf one, %select_n3A_56, %ne3A_68 : vector<4xf32>
    %convert_element_type3A_70 = arith.extui %ne3A_69 : vector<4xi1> to vector<4xi32>
    %convert_element_type3A_71 = arith.sitofp %convert_element_type3A_70 : vector<4xi32> to vector<4xf32>
    %reduce_sum3A_72 = vector.shape_cast %convert_element_type3A_71 : vector<4xf32> to vector<1x4xf32>
    %reduce_sum3A_73 = arith.constant dense<0.000000e+00> : vector<1xf32>
    %reduce_sum3A_74 = vector.multi_reduction <add>, %reduce_sum3A_72, %reduce_sum3A_73 [1] : vector<1x4xf32> to vector<1xf32>
    %reduce_sum3A_75 = vector.shape_cast %reduce_sum3A_74 : vector<1xf32> to vector<1x1xf32>
    %reduce_sum3A_76 = vector.extract %reduce_sum3A_75[0, 0] : f32 from vector<1x1xf32>
    %add3A_77 = arith.addf %get3A_67, %reduce_sum3A_76 : f32
    %swap3A_78 = arith.constant 1 : index
    %swap3A_79 = memref.load %arg5[%swap3A_78] : memref<2xf32, #tpu.memory_space<smem>>
    memref.store %add3A_77, %arg5[%swap3A_78] : memref<2xf32, #tpu.memory_space<smem>>
    %eq3A_80 = arith.constant 1 : i32
    %eq3A_81 = arith.cmpi eq, %arg1, %eq3A_80 : i32
    %convert_element_type3A_82 = arith.extui %eq3A_81 : i1 to i32
    %cond3A_83 = arith.constant 0 : i32
    %cond3A_84 = arith.cmpi ne, %convert_element_type3A_82, %cond3A_83 : i32
    scf.if %cond3A_84 {
      %get3A_85 = arith.constant 0 : index
      %get3A_86 = memref.load %arg5[%get3A_85] : memref<2xf32, #tpu.memory_space<smem>>
      %get3A_87 = arith.constant 1 : index
      %get3A_88 = memref.load %arg5[%get3A_87] : memref<2xf32, #tpu.memory_space<smem>>
      %add3A_89 = arith.constant 1.000000e+00 : f32
      %add3A_90 = arith.addf %get3A_88, %add3A_89 : f32
      %div3A_91 = arith.divf %get3A_86, %add3A_90 : f32
      %swap3A_92 = arith.index_cast %arg0 : i32 to index
      %swap3A_93 = memref.load %arg4[%swap3A_92] : memref<4xf32, #tpu.memory_space<smem>>
      memref.store %div3A_91, %arg4[%swap3A_92] : memref<4xf32, #tpu.memory_space<smem>>
    } else {
    }
    return
  }
  func.func @transform_0(%arg0: i32, %arg1: i32) -> (i32, i32, i32, i32) {
    %c0_i32 = arith.constant 0 : i32
    %c0_i32_0 = arith.constant 0 : i32
    %c0_i32_1 = arith.constant 0 : i32
    return %arg0, %arg1, %c0_i32, %c0_i32_0 : i32, i32, i32, i32
  }
  func.func @transform_1(%arg0: i32, %arg1: i32) -> (i32, i32, i32, i32, i32) {
    %c0_i32 = arith.constant 0 : i32
    %c0_i32_0 = arith.constant 0 : i32
    %c0_i32_1 = arith.constant 0 : i32
    %c0_i32_2 = arith.constant 0 : i32
    return %arg0, %arg1, %c0_i32, %c0_i32_0, %c0_i32_1 : i32, i32, i32, i32, i32
  }
  func.func @transform_2(%arg0: i32, %arg1: i32) -> i32 {
    %c0_i32 = arith.constant 0 : i32
    %c0_i32_0 = arith.constant 0 : i32
    return %c0_i32 : i32
  }
}

</mosaic_0001>

<sc_bundles>
// kernel: kernel.4.cloned.1.call-start
scs
__scs_entry_jumppad:
0x0: {  	(pc) =	sbr.rel $0x88, $3  }
0x1: {  	(tag) =	ssettag $0x0;
	lr =	simm.s32 $0x1  }
0x2: {  	[smem:$0x3F9F] =	sst lr;
	_ =	strace $0xD0000000  }
0x3: {  	_ = 	snop  }
0x4: {  	_ = 	snop  }
0x5: {  	_ = 	snop  }
0x6: {  	_ = 	snop  }
0x7: {  	_ = 	snop  }
__scs_overlays_trampoline_lowered:
0x8: {  	[smem:$0x3FAE] =	sst s0  }
0x9: {  	[smem:$0x3FAF] =	sst s1  }
0xa: {  	[smem:$0x3FB0] =	sst s2  }
0xb: {  	[smem:$0x3FB1] =	sst s3  }
0xc: {  	[smem:$0x3FB2] =	sst s4  }
0xd: {  	[smem:$0x3FB3] =	sst s5  }
0xe: {  	[smem:$0x3FB4] =	sst s6  }
0xf: {  	[smem:$0x3FB5] =	sst s7  }
0x10: {  	[smem:$0x3FB6] =	sst s8  }
0x11: {  	[smem:$0x3FB7] =	sst s9;
	s0 =	simm.s32 @!p0 $0x0  }
0x12: {  	s1 =	sld [smem:$0x3F9D];
	s0 =	simm.s32 @p0 $0x1  }
0x13: {  	[smem:$0x3FB8] =	sst s0;
	s0 =	simm.s32 @!p1 $0x0  }
0x14: {  	s2 =	sld [smem:$0x3F9C];
	s0 =	simm.s32 @p1 $0x1  }
0x15: {  	[smem:$0x3FB9] =	sst s0;
	s0 =	simm.s32 @!p2 $0x0  }
0x16: {  	s3 =	sld [smem:$0x3FDB];
	s0 =	simm.s32 @p2 $0x1  }
0x17: {  	s4 =	simm.s32 $0x1BF5;
	[smem:$0x3FBB] =	sst s0  }
0x18: {  	s0 =	sld [smem:$0x3F9E];
	_ =	swait.ge [sflag:s4], $0x0  }
0x19: {  	s7 =	sld [smem:$0x3F9F]  }
0x1a: {  	s8 =	sadd.s32 $0xFFFFE003, lr  }
0x1b: {  	s9 =	sadd.s32 $0xFFFFFEF7, lr;
	s5 =	simm.s32 $0xFFFFFFFF;
	p2 =	slt.u32 s8, $0xFFFFF086  }
0x1c: {  	p1 =	slt.u32 s9, $0xF7A;
	s5 =	simm.s32 @!p2 $0x0  }
0x1d: {  	s5 =	simm.s32 @p1 $0x1;
	p0 =	seq.s32 s7, s2  }
0x1e: {  	s7 =	smul.u32 @!p0 $0xF7A, s2;
	p2 =	seq.s32 @!p0 s5, $0x0  }
0x1f: {  	s9 =	smul.u32 $0xF7A, s1;
	s8 =	simm.s32 @!p0 $0x1BF5;
	p2 =	por !p2, p0  }
0x20: {  	[sflag:s8] =	ssyncset.s32 @!p0 $0xFFFFF086;
	s6 =	sadd.s32 @!p0 s3, s7;
	s7 =	simm.s32 @!p0 $0x108  }
0x21: {  	s3 =	sadd.s32 s3, s9;
	s6 =	sadd.s32 @!p0 $0x88, s6;
	s7 =	simm.s32 @p2 $0x1082  }
0x22: {  	[simem:s7], [sflag:s8] =	dma.local @!p0 [hbm:s6], $0xF7A  }
0x23: {  	s9 =	sor.u32 $0xD0000000, s2;
	s6 =	simm.s32 $0x108;
	_ =	swait.ge @!p0 [sflag:s8], $0x0  }
0x24: {  	s3 =	sadd.s32 $0x88, s3;
	s6 =	simm.s32 @!p1 $0x1082;
	[sflag:s4] =	ssyncset.s32 $0xFFFFF086  }
0x25: {  	[simem:s6], [sflag:s4] =	dma.local [hbm:s3], $0xF7A  }
0x26: {  	[smem:$0x3F9F] =	sst s1;
	(tag) =	ssettag s2;
	_ =	strace s9  }
0x27: {  	s1 =	sld [smem:$0x3FAF]  }
0x28: {  	s2 =	sld [smem:$0x3FB0]  }
0x29: {  	s4 =	sld [smem:$0x3FB2]  }
0x2a: {  	p0 =	seq.s32 s5, $0x0;
	s5 =	sld [smem:$0x3FB3]  }
0x2b: {  	s6 =	sld [smem:$0x3FB4]  }
0x2c: {  	s7 =	sld [smem:$0x3FB5]  }
0x2d: {  	s3 =	simm.s32 $0x108;
	s8 =	sld [smem:$0x3FB6]  }
0x2e: {  	s3 =	simm.s32 @!p0 $0x1082;
	s9 =	sld [smem:$0x3FB7]  }
0x2f: {  	lr =	sadd.s32 s0, s3;
	s0 =	sld [smem:$0x3FAE]  }
0x30: {  	s3 =	sld [smem:$0x3FB1]  }
0x31: {  	[smem:$0x3FBA] =	sst s10  }
0x32: {  	s10 =	sld [smem:$0x3FB8];
	_ =	sdelay $0x3  }
0x33: {  	p0 =	seq.s32 s10, $0x1;
	s10 =	sld [smem:$0x3FBA];
	_ =	sdelay $0x3  }
0x34: {  	[smem:$0x3FBA] =	sst s10  }
0x35: {  	s10 =	sld [smem:$0x3FB9];
	_ =	sdelay $0x3  }
0x36: {  	p1 =	seq.s32 s10, $0x1;
	s10 =	sld [smem:$0x3FBA];
	_ =	sdelay $0x3  }
0x37: {  	[smem:$0x3FBA] =	sst s10  }
0x38: {  	s10 =	sld [smem:$0x3FBB]  }
0x39: {  	_ = 	snop;
	(pc) =	sbr.ind lr, $3  }
0x3a: {  	_ = 	snop  }
0x3b: {  	_ = 	snop  }
0x3c: {  	p2 =	seq.s32 s10, $0x1;
	s10 =	sld [smem:$0x3FBA]  }
0x3d: {  	_ =	shalt  }
0x3e: {  	_ =	shalt  }
0x3f: {  	_ =	shalt  }
0x40: {  	_ =	shalt  }
0x41: {  	_ =	shalt  }
0x42: {  	_ =	shalt  }
0x43: {  	_ =	shalt  }
0x44: {  	_ =	shalt  }
0x45: {  	_ =	shalt  }
0x46: {  	_ =	shalt  }
0x47: {  	_ =	shalt  }
0x48: {  	_ =	shalt  }
0x49: {  	_ =	shalt  }
0x4a: {  	_ =	shalt  }
0x4b: {  	_ =	shalt  }
0x4c: {  	_ =	shalt  }
0x4d: {  	_ =	shalt  }
0x4e: {  	_ =	shalt  }
0x4f: {  	_ =	shalt  }
0x50: {  	_ =	shalt  }
0x51: {  	_ =	shalt  }
0x52: {  	_ =	shalt  }
0x53: {  	_ =	shalt  }
0x54: {  	_ =	shalt  }
0x55: {  	_ =	shalt  }
0x56: {  	_ =	shalt  }
0x57: {  	_ =	shalt  }
0x58: {  	_ =	shalt  }
0x59: {  	_ =	shalt  }
0x5a: {  	_ =	shalt  }
0x5b: {  	_ =	shalt  }
0x5c: {  	_ =	shalt  }
0x5d: {  	_ =	shalt  }
0x5e: {  	_ =	shalt  }
0x5f: {  	_ =	shalt  }
0x60: {  	_ =	shalt  }
0x61: {  	_ =	shalt  }
0x62: {  	_ =	shalt  }
0x63: {  	_ =	shalt  }
0x64: {  	_ =	shalt  }
0x65: {  	_ =	shalt  }
0x66: {  	_ =	shalt  }
0x67: {  	_ =	shalt  }
0x68: {  	_ =	shalt  }
0x69: {  	_ =	shalt  }
0x6a: {  	_ =	shalt  }
0x6b: {  	_ =	shalt  }
0x6c: {  	_ =	shalt  }
0x6d: {  	_ =	shalt  }
0x6e: {  	_ =	shalt  }
0x6f: {  	_ =	shalt  }
0x70: {  	_ =	shalt  }
0x71: {  	_ =	shalt  }
0x72: {  	_ =	shalt  }
0x73: {  	_ =	shalt  }
0x74: {  	_ =	shalt  }
0x75: {  	_ =	shalt  }
0x76: {  	_ =	shalt  }
0x77: {  	_ =	shalt  }
0x78: {  	_ =	shalt  }
0x79: {  	_ =	shalt  }
0x7a: {  	_ =	shalt  }
0x7b: {  	_ =	shalt  }
0x7c: {  	_ =	shalt  }
0x7d: {  	_ =	shalt  }
0x7e: {  	_ =	shalt  }
0x7f: {  	_ =	shalt  }
0x80: {  	_ =	shalt  }
0x81: {  	_ =	shalt  }
0x82: {  	_ =	shalt  }
0x83: {  	_ =	shalt  }
0x84: {  	_ =	shalt  }
0x85: {  	_ =	shalt  }
0x86: {  	_ =	shalt  }
0x87: {  	_ =	shalt  }
.Lfunc_end0:
.L_simem_size_0:
called_computation_lowered:
.L_overlay_start_0:
0x88: {  	s2 =	sld [smem:$0x3FD9]  }
0x89: {  	s3 =	sld [smem:$0x3FFE];
	_ =	sdelay $0x1  }
0x8a: {  	s1 =	srdreg.scid  }
0x8b: {  	s0 =	sand.u32 $0x1, s1  }
0x8c: {  	s17 =	sshll.u32 s0, $0xA;
	s2 =	sadd.s32 s3, s2  }
0x8d: {  	s2 =	sadd.s32 s2, s17  }
0x8e: {  	[smem:$0x3FC6] =	sst s2  }
0x8f: {  	_ = 	snop  }
0x90: {  	s2 =	sld [smem:$0x3FC9];
	(tm) =	ssettm $0x1  }
0x91: {  	s18 =	sld [smem:$0x3FFB];
	_ =	sdelay $0x3  }
0x92: {  	_ =	strace s18  }
0x93: {  	s3 =	sld [smem:$0x3FFC];
	_ =	sdelay $0x3  }
0x94: {  	_ =	strace s3  }
0x95: {  	s3 =	sld [smem:$0x3FFD];
	_ =	sdelay $0x3  }
0x96: {  	_ =	strace s3  }
0x97: {  	_ =	strace $0x8FFFFFFF  }
0x98: {  	s19 =	sld [smem:$0x3FDB];
	_ =	sdelay $0x1  }
0x99: {  	s4 =	simm.s32 $_scs_section_size  }
0x9a: {  	s5 =	simm.s32 $_size__tile_overlayer_lowered;
	s6 =	simm.s32 $_tile_overlayer_lowered  }
0x9b: {  	s22 =	simm.s32 $0x1BFF;
	s21 =	sshll.u32 s6, $0x1;
	s3 =	sadd.s32 s4, s19  }
0x9c: {  	s7 =	simm.s32 $0x0;
	s20 =	sshll.u32 s5, $0x1;
	s5 =	sadd.s32 s21, s3  }
0x9d: {  	[timem:s7], [sflag:s22] =	dma.local [hbm:s5], s20  }
0x9e: {  	_ =	swait.ge [sflag:s22], s20  }
0x9f: {  	s4 =	ssub.s32 $0x0, s20;
	[sflag:s22] =	ssyncset.done $0x0  }
0xa0: {  	[sflag:s22] =	ssyncadd.s32 s4;
	_ =	sdelay $0x1  }
0xa1: {  	s23 =	simm.s32 $0x1B8B  }
0xa2: {  	_ =	swait.ge [sflag:s23], $0x1  }
0xa3: {  	[sflag:s23] =	ssyncset.done $0x0  }
0xa4: {  	s25 =	simm.s32 $0x1B8E;
	s24 =	sld [smem:$0x3FFE];
	[sflag:s23] =	ssyncadd.s32 $0xFFFFFFFF  }
0xa5: {  	s26 =	simm.s32 $execute0_lowered;
	[smem:$0x3FD2] =	sst s25  }
0xa6: {  	s5 =	sshll.u32 s26, $0x1;
	_ =	strace $0x80000046;
	[dreg:$0x1] =	wrdreg $0xFFFFFFFF  }
0xa7: {  	s28 =	simm.s32 $_size_execute0_lowered;
	s3 =	sadd.s32 s3, s5;
	[dreg:$0x0] =	wrdreg $0x0  }
0xa8: {  	s5 =	sshll.u32 s28, $0x1;
	[dreg:$0x2] =	wrdreg s3  }
0xa9: {  	[dreg:$0x3] =	wrdreg s5  }
0xaa: {  	[dreg:$0x4] =	wrdreg $0xC0  }
0xab: {  	_ =	task [dreg:s7], $0x5FFFF  }
0xac: {  	[dreg:$0x1] =	wrdreg $0xFFFFFFFF  }
0xad: {  	[dreg:$0x0] =	wrdreg $0x60  }
0xae: {  	[dreg:$0x2] =	wrdreg s2  }
0xaf: {  	[dreg:$0x3] =	wrdreg s24  }
0xb0: {  	[dreg:$0x4] =	wrdreg $0x9  }
0xb1: {  	_ =	task.clear_ibuf [dreg:s7], $0x5FFFF;
	_ =	strace $0x90000046  }
0xb2: {  	s29 =	simm.s32 $0x9;
	_ =	strace $0x80000048  }
0xb3: {  	_ =	swait.ge [sflag:s29], $0x1  }
0xb4: {  	[sflag:s29] =	ssyncadd.s32 $0xFFFFFFFF  }
0xb5: {  	_ =	strace $0x90000048  }
0xb6: {  	_ =	sfence  }
0xb7: {  	s30 =	sld [smem:$0x0];
	_ =	sdelay $0x2  }
0xb8: {  	s31 =	sshll.u32 s1, $0xD;
	s1 =	sshrl.u32 s1, $0x2  }
0xb9: {  	s3 =	sand.u32 $0x4000, s31;
	s1 =	sadd.s32 s1, s30  }
0xba: {  	s0 =	sor.u32 s3, s0;
	s1 =	sshll.u32 s1, $0x11  }
0xbb: {  	s0 =	sor.u32 s1, s0  }
0xbc: {  	s0 =	sadd.s32 $0x8F2B, s0  }
0xbd: {  	[sflag:s0] =	ssyncadd.remote.s32 $0x1  }
0xbe: {  	_ =	sfence.sel $0xFFFF  }
0xbf: {  	[dreg:$0x0] =	wrdreg $0xFFFFFFFF;
	(pc) =	sbr.abs _section_cstart, $3  }
0xc0: {  	[dreg:$0x1] =	wrdreg $0xFFFFFFFF  }
0xc1: {  	_ =	task.clear_ibuf [dreg:s7], $0x2FFFF;
	_ =	strace $0x9FFFFFFF  }
0xc2: {  	(tm) =	ssettm $0x7FFFFFFF  }
0xc3: {  	_ =	shalt  }
tec
execute0_lowered:
.L_overlay_start_1:
0x0: {  	(tag) =	ssettag $0x1  }
0x1: {  	s3 =	rddreg [dreg:$0x0]  }
0x2: {  	s5 =	rddreg [dreg:$0x1];
	s2 =	srdreg.scid  }
0x3: {  	s0 =	rddreg [dreg:$0x2];
	s1 =	stileid.u32;
	s4 =	sand.u32 $0x1, s2  }
0x4: {  	s2 =	simm.s32 $0x0;
	s6 =	sshll.u32 s1, $0xB;
	s7 =	sshll.u32 s4, $0xA  }
0x5: {  	[smem:$0x7FF] =	sst s2;
	s30 =	ssub.s32 $0x2, s4;
	s7 =	sor.u32 s7, s6  }
0x6: {  	s6 =	sand.u32 $0x6000, s6;
	_ =	strace $0x80000047;
	s31 =	sshrl.u32 s30, $0x1  }
0x7: {  	s8 =	sand.u32 $0x1C00, s7;
	s3 =	sadd.s32 s3, s6;
	s6 =	ssub.s32 s30, s31  }
0x8: {  	s4 =	sadd.s32 s8, s3;
	s3 =	simm.s32 $0x1;
	s6 =	smax.u32 s6, $0x1  }
0x9: {  	[tilespmem:s2], [sflag:$0x1] =	stream.linear.gather [hbm4b:s4+s2], $0x2000, $0x38;
	[tilespmem:$0x2000] =	vst v63  }
0xa: {  	p0 =	sne.s32 s6, $0x1;
	_ =	swait.ge [sflag:s3], $0x2000  }
.Ltmp0:
0xb: {  	s5 =	sadd.s32 s7, s5;
	[sflag:s3] =	ssyncset.done $0x0;
	(pc) =	sbr.rel @!p0 .LBB2_2-.Ltmp0, $4  }
0xc: {  	s5 =	sadd.s32 $0x600, s5;
	[sflag:s3] =	ssyncadd.s32 $0xFFFFE000  }
0xd: {  	[hbm4b:s5+s2] =	stream.linear.scatter [tilespmem:s2], [sflag:$0x1], $0x2000, $0x38;
	[tilespmem:$0x2000] =	vst v63  }
0xe: {  	_ =	swait.ge [sflag:s3], $0x2000  }
0xf: {  	s6 =	sadd.s32 $0xFFFFFFFF, s6;
	[sflag:s3] =	ssyncset.done $0x0  }
.LBB2_1:
0x10: {  	p0 =	sne.s32 s6, $0x1;
	s6 =	sadd.s32 $0xFFFFFFFF, s6;
	[sflag:s3] =	ssyncadd.s32 $0xFFFFE000  }
0x11: {  	[tilespmem:s2], [sflag:$0x1] =	stream.linear.gather [hbm4b:s4+s2], $0x2000, $0x38;
	[tilespmem:$0x2000] =	vst v63  }
0x12: {  	_ =	swait.ge [sflag:s3], $0x2000  }
.Ltmp1:
0x13: {  	[sflag:s3] =	ssyncset.done $0x0;
	(pc) =	sbr.rel @p0 .LBB2_1-.Ltmp1, $4  }
0x14: {  	[sflag:s3] =	ssyncadd.s32 $0xFFFFE000  }
0x15: {  	[hbm4b:s5+s2] =	stream.linear.scatter [tilespmem:s2], [sflag:$0x1], $0x2000, $0x38;
	[tilespmem:$0x2000] =	vst v63  }
0x16: {  	_ =	swait.ge [sflag:s3], $0x2000  }
0x17: {  	[sflag:s3] =	ssyncset.done $0x0  }
.LBB2_2:
0x18: {  	[sflag:s3] =	ssyncadd.s32 $0xFFFFE000  }
0x19: {  	_ =	sfence.sel $0x180000  }
0x1a: {  	[bflag:$0x0] =	sbarrier.arrive $0xFFFF  }
0x1b: {  	p0 =	sne.s32 s1, $0x0;
	_ =	strace $0x90000047  }
0x1c: {  	s0 =	sadd.s32 @!p0 $0x100000, s0;
	[bflag:$0x2] =	sbarrier.arrive $0xFFFF  }
0x1d: {  	[sflag:s0] =	ssyncadd.tile.s32 @!p0 $0x1;
	_ =	shalt  }
.Lfunc_end2:
_tile_overlayer_lowered:
.L_overlay_start_2:
0x1e: {  	(tag) =	ssettag $0x2  }
0x1f: {  	s0 =	rddreg [dreg:$0x0];
	s2 =	stileid.u32  }
0x20: {  	s1 =	rddreg [dreg:$0x1];
	p0 =	sne.s32 s2, $0x0  }
0x21: {  	s3 =	rddreg [dreg:$0x2];
	[bflag:$0x3] =	sbarrier.arrive $0xFFFF;
	s2 =	simm.s32 @!p0 $0x1C01  }
0x22: {  	[timem:s3], [sflag:s2] =	dma.local @!p0 [hbm:s0], s1  }
0x23: {  	s0 =	simm.s32 @!p0 $0x1  }
0x24: {  	_ =	swait.ge @!p0 [sflag:s0], s1  }
0x25: {  	s1 =	ssub.s32 @!p0 $0x0, s1;
	[sflag:s0] =	ssyncset.done @!p0 $0x0  }
0x26: {  	[sflag:s0] =	ssyncadd.s32 @!p0 s1  }
0x27: {  	[bflag:$0x3] =	sbarrier.arrive $0xFFFF  }
0x28: {  	_ =	shalt  }

</sc_bundles>
